<compile_context>
chip_gen: v7x
topology: tpu7x:2x2x1
jax: 0.10.2.dev20260603
libtpu: 0.0.44.dev20260713+nightly
codegen_flags: <defaults>
</compile_context>

<pallas_src>
import jax
import jax.numpy as jnp
from jax import lax
from jax.experimental import pallas as pl
from jax.experimental.pallas import tpu as pltpu
from jax.experimental.pallas import tpu_sc as plsc

B, L, D = 4096, 201, 128
V = 3

NC, NS = 2, 16
NW = NC * NS
BPW = B // NW
RPW = BPW * L

BB = 128
NTC = B // BB


def _sc_body(ids_hbm, len_hbm, ids2_hbm, clen_hbm,
             ids_v, len_v, len1_v, eofidx_v, eofmark_v, sem):
    wid = lax.axis_index("s") * NC + lax.axis_index("c")
    base_b = wid * BPW
    base_r = wid * RPW

    pltpu.sync_copy(ids_hbm.at[pl.ds(base_r, RPW)], ids_v)
    pltpu.sync_copy(len_hbm.at[pl.ds(base_b, BPW)], len_v)

    eof_row = jnp.full((16,), V, dtype=jnp.int32)
    for k in range(BPW // 16):
        lv = len_v[pl.ds(k * 16, 16)]
        jb = lax.iota(jnp.int32, 16) + (k * 16)
        eofidx_v[pl.ds(k * 16, 16)] = base_r + jb * L + lv
        eofmark_v[pl.ds(k * 16, 16)] = eof_row
        len1_v[pl.ds(k * 16, 16)] = lv + 1
    pltpu.sync_copy(len1_v, clen_hbm.at[pl.ds(base_b, BPW)])

    pltpu.sync_copy(ids_v, ids2_hbm.at[pl.ds(base_r, RPW)])
    pltpu.async_copy(eofmark_v, ids2_hbm.at[eofidx_v], sem).wait()


_sc_call = pl.kernel(
    _sc_body,
    out_type=(
        jax.ShapeDtypeStruct((B * L,), jnp.int32),
        jax.ShapeDtypeStruct((B,), jnp.int32),
    ),
    mesh=plsc.VectorSubcoreMesh(core_axis_name="c", subcore_axis_name="s"),
    scratch_types=[
        pltpu.VMEM((RPW,), jnp.int32),
        pltpu.VMEM((BPW,), jnp.int32),
        pltpu.VMEM((BPW,), jnp.int32),
        pltpu.VMEM((BPW,), jnp.int32),
        pltpu.VMEM((BPW,), jnp.int32),
        pltpu.SemaphoreType.DMA,
    ],
)


def _tc_body(ids_ref, tab_ref, out_ref):
    w = ids_ref[...][:, :, None]
    t0 = tab_ref[0, :][None, None, :]
    t1 = tab_ref[1, :][None, None, :]
    t2 = tab_ref[2, :][None, None, :]
    t3 = tab_ref[3, :][None, None, :]
    out_ref[...] = jnp.where(
        w < 2,
        jnp.where(w == 0, t0, t1),
        jnp.where(w == 2, t2, t3),
    )


_tc_call = pl.pallas_call(
    _tc_body,
    grid=(NTC,),
    in_specs=[
        pl.BlockSpec((BB, L), lambda i: (i, 0)),
        pl.BlockSpec((V + 1, D), lambda i: (0, 0)),
    ],
    out_specs=pl.BlockSpec((BB, L, D), lambda i: (i, 0, 0)),
    out_shape=jax.ShapeDtypeStruct((B, L, D), jnp.float32),
)


@jax.jit
def kernel(word_ids, lengths, table, eof_embedding):
    ids_flat = word_ids.reshape(B * L)
    table4 = jnp.concatenate([table, eof_embedding], axis=0)
    ids2, char_len = _sc_call(ids_flat, lengths)
    rep = _tc_call(ids2.reshape(B, L), table4)
    return rep, char_len

# --- scband reference (transcript-rebuilt; emitter-appended) ---
"""Pipeline reference for scband-sp-wspipeline-24833500905524 (READ-ONLY COPY).

The authoritative reference and input builder live on the scoring server;
editing this copy changes nothing except your own understanding.
"""

import jax, jax.numpy as jnp
import numpy as np

B, L, D = 4096, 201, 128
V = 3  # len(ws_vocab)


def setup_inputs(seed: int = 0) -> dict:
    key = jax.random.key(seed)
    k1, k2, k3, k4 = jax.random.split(key, 4)
    word_ids = jax.random.randint(k1, (B, L), 0, V, dtype=jnp.int32)
    lengths = jax.random.randint(k2, (B,), 0, L - 1, dtype=jnp.int32)
    table = jax.random.normal(k3, (V, D), dtype=jnp.float32)
    bias = float(np.sqrt(3.0 / D))
    eof_embedding = jax.random.uniform(k4, (1, D), dtype=jnp.float32, minval=-bias, maxval=bias)
    return {"word_ids": word_ids, "lengths": lengths, "table": table, "eof_embedding": eof_embedding}


def reference(word_ids, lengths, table, eof_embedding):
    # Faithful translation of spWSPipeline.forward (eval mode: WordDropout = identity).
    # word_ids: padded token ids [B, L]; lengths: per-instance 'len' values.
    B_, L_ = word_ids.shape
    # nn.Embedding lookup -> gather
    word_embed = jnp.take(table, word_ids, axis=0)  # [B, L, D]
    flat = word_embed.reshape(B_ * L_, -1)
    # eof_ind[i] = shift_i + len_i  (shift_i = i * max_length)
    eof_ind = jnp.arange(B_, dtype=jnp.int32) * L_ + lengths
    # scatter-overwrite the EOF embedding row at each eof position
    flat = flat.at[eof_ind].set(eof_embedding[0])
    rep = flat.reshape(B_, L_, -1)
    char_len = lengths + 1
    return (rep, char_len)

if __name__ == "__main__":
    import jax
    _d = setup_inputs()
    print(jax.jit(kernel)(*tuple(_d.values())))

</pallas_src>

<mosaic_0001>
#map = affine_map<(d0, d1) -> (0)>
module attributes {stable_mosaic.version = 14 : i64} {
  func.func @_sc_body(%arg0: i32, %arg1: i32, %arg2: memref<823296xi32, #tpu.memory_space<hbm>>, %arg3: memref<4096xi32, #tpu.memory_space<hbm>>, %arg4: memref<823296xi32, #tpu.memory_space<hbm>>, %arg5: memref<4096xi32, #tpu.memory_space<hbm>>, %arg6: memref<25728xi32, #tpu.memory_space<vmem>>, %arg7: memref<128xi32, #tpu.memory_space<vmem>>, %arg8: memref<128xi32, #tpu.memory_space<vmem>>, %arg9: memref<128xi32, #tpu.memory_space<vmem>>, %arg10: memref<128xi32, #tpu.memory_space<vmem>>, %arg11: memref<!tpu.dma_semaphore, #tpu.memory_space<semaphore_mem>>) attributes {dimension_semantics = [#tpu.dimension_semantics<core_parallel>, #tpu.dimension_semantics<subcore_parallel>], iteration_bounds = array<i64: 2, 16>, scalar_prefetch = 0 : i64, scratch_operands = 6 : i64, tpu.core_type = #tpu.core_type<sc_vector_subcore>, window_params = [{transform_indices = #map}, {transform_indices = #map}, {transform_indices = #map}, {transform_indices = #map}]} {
    %mul3A = arith.constant 2 : i32
    %mul3A_0 = arith.muli %arg1, %mul3A : i32
    %add3A = arith.addi %mul3A_0, %arg0 : i32
    %mul3A_1 = arith.constant 128 : i32
    %mul3A_2 = arith.muli %add3A, %mul3A_1 : i32
    %mul3A_3 = arith.constant 25728 : i32
    %mul3A_4 = arith.muli %add3A, %mul3A_3 : i32
    "tpu.region"() ({
      %run_scoped3A = tpu.sem_alloc : memref<!tpu.dma_semaphore, #tpu.memory_space<semaphore_mem>>
      %dma_start3A_229 = tpu.memref_slice %arg2[%mul3A_4] : memref<823296xi32, #tpu.memory_space<hbm>> -> memref<25728xi32, #tpu.memory_space<hbm>>
      %dma_start3A_230 = tpu.memref_slice %arg2[%mul3A_4] : memref<823296xi32, #tpu.memory_space<hbm>> -> memref<25728xi32, #tpu.memory_space<hbm>>
      tpu.enqueue_dma source(%dma_start3A_230 : memref<25728xi32, #tpu.memory_space<hbm>>) target(%arg6 : memref<25728xi32, #tpu.memory_space<vmem>>) target_semaphore(%run_scoped3A : memref<!tpu.dma_semaphore, #tpu.memory_space<semaphore_mem>>)
      %dma_wait3A_231 = tpu.memref_slice %arg2[%mul3A_4] : memref<823296xi32, #tpu.memory_space<hbm>> -> memref<25728xi32, #tpu.memory_space<hbm>>
      %dma_wait3A_232 = tpu.memref_slice %arg2[%mul3A_4] : memref<823296xi32, #tpu.memory_space<hbm>> -> memref<25728xi32, #tpu.memory_space<hbm>>
      tpu.wait_dma2 semaphore(%run_scoped3A : memref<!tpu.dma_semaphore, #tpu.memory_space<semaphore_mem>>) src(%dma_wait3A_232 : memref<25728xi32, #tpu.memory_space<hbm>>) dst(%arg6 : memref<25728xi32, #tpu.memory_space<vmem>>)
      tpu.yield
    }) : () -> ()
    "tpu.region"() ({
      %run_scoped3A = tpu.sem_alloc : memref<!tpu.dma_semaphore, #tpu.memory_space<semaphore_mem>>
      %dma_start3A_229 = tpu.memref_slice %arg3[%mul3A_2] : memref<4096xi32, #tpu.memory_space<hbm>> -> memref<128xi32, #tpu.memory_space<hbm>>
      %dma_start3A_230 = tpu.memref_slice %arg3[%mul3A_2] : memref<4096xi32, #tpu.memory_space<hbm>> -> memref<128xi32, #tpu.memory_space<hbm>>
      tpu.enqueue_dma source(%dma_start3A_230 : memref<128xi32, #tpu.memory_space<hbm>>) target(%arg7 : memref<128xi32, #tpu.memory_space<vmem>>) target_semaphore(%run_scoped3A : memref<!tpu.dma_semaphore, #tpu.memory_space<semaphore_mem>>)
      %dma_wait3A_231 = tpu.memref_slice %arg3[%mul3A_2] : memref<4096xi32, #tpu.memory_space<hbm>> -> memref<128xi32, #tpu.memory_space<hbm>>
      %dma_wait3A_232 = tpu.memref_slice %arg3[%mul3A_2] : memref<4096xi32, #tpu.memory_space<hbm>> -> memref<128xi32, #tpu.memory_space<hbm>>
      tpu.wait_dma2 semaphore(%run_scoped3A : memref<!tpu.dma_semaphore, #tpu.memory_space<semaphore_mem>>) src(%dma_wait3A_232 : memref<128xi32, #tpu.memory_space<hbm>>) dst(%arg7 : memref<128xi32, #tpu.memory_space<vmem>>)
      tpu.yield
    }) : () -> ()
    %broadcast_in_dim3A = arith.constant 3 : i32
    %broadcast_in_dim3A_5 = vector.broadcast %broadcast_in_dim3A : i32 to vector<16xi32>
    %get3A = arith.constant 0 : index
    %get3A_6 = tpu.vector_load %arg7[%get3A] {strides = array<i32>} : memref<128xi32, #tpu.memory_space<vmem>>, vector<16xi32>,
    %get3A_7 = vector.shape_cast %get3A_6 : vector<16xi32> to vector<16xi32>
    %iota3A = tpu.iota {dimensions = array<i32: 0>} : vector<16xi32>
    %add3A_8 = arith.constant 0 : i32
    %add3A_9 = vector.broadcast %add3A_8 : i32 to vector<16xi32>
    %add3A_10 = arith.addi %iota3A, %add3A_9 : vector<16xi32>
    %mul3A_11 = arith.constant 201 : i32
    %mul3A_12 = vector.broadcast %mul3A_11 : i32 to vector<16xi32>
    %mul3A_13 = arith.muli %add3A_10, %mul3A_12 : vector<16xi32>
    %add3A_14 = vector.broadcast %mul3A_4 : i32 to vector<16xi32>
    %add3A_15 = arith.addi %add3A_14, %mul3A_13 : vector<16xi32>
    %add3A_16 = arith.addi %add3A_15, %get3A_7 : vector<16xi32>
    %swap3A = arith.constant 0 : index
    %swap3A_17 = tpu.vector_load %arg9[%swap3A] {strides = array<i32>} : memref<128xi32, #tpu.memory_space<vmem>>, vector<16xi32>,
    %swap3A_18 = vector.shape_cast %swap3A_17 : vector<16xi32> to vector<16xi32>
    %swap3A_19 = vector.shape_cast %add3A_16 : vector<16xi32> to vector<16xi32>
    tpu.vector_store %arg9[%swap3A], %swap3A_19 {strides = array<i32>} : memref<128xi32, #tpu.memory_space<vmem>>, vector<16xi32>,
    %swap3A_20 = arith.constant 0 : index
    %swap3A_21 = tpu.vector_load %arg10[%swap3A_20] {strides = array<i32>} : memref<128xi32, #tpu.memory_space<vmem>>, vector<16xi32>,
    %swap3A_22 = vector.shape_cast %swap3A_21 : vector<16xi32> to vector<16xi32>
    %swap3A_23 = vector.shape_cast %broadcast_in_dim3A_5 : vector<16xi32> to vector<16xi32>
    tpu.vector_store %arg10[%swap3A_20], %swap3A_23 {strides = array<i32>} : memref<128xi32, #tpu.memory_space<vmem>>, vector<16xi32>,
    %add3A_24 = arith.constant 1 : i32
    %add3A_25 = vector.broadcast %add3A_24 : i32 to vector<16xi32>
    %add3A_26 = arith.addi %get3A_7, %add3A_25 : vector<16xi32>
    %swap3A_27 = arith.constant 0 : index
    %swap3A_28 = tpu.vector_load %arg8[%swap3A_27] {strides = array<i32>} : memref<128xi32, #tpu.memory_space<vmem>>, vector<16xi32>,
    %swap3A_29 = vector.shape_cast %swap3A_28 : vector<16xi32> to vector<16xi32>
    %swap3A_30 = vector.shape_cast %add3A_26 : vector<16xi32> to vector<16xi32>
    tpu.vector_store %arg8[%swap3A_27], %swap3A_30 {strides = array<i32>} : memref<128xi32, #tpu.memory_space<vmem>>, vector<16xi32>,
    %get3A_31 = arith.constant 16 : index
    %get3A_32 = tpu.vector_load %arg7[%get3A_31] {strides = array<i32>} : memref<128xi32, #tpu.memory_space<vmem>>, vector<16xi32>,
    %get3A_33 = vector.shape_cast %get3A_32 : vector<16xi32> to vector<16xi32>
    %iota3A_34 = tpu.iota {dimensions = array<i32: 0>} : vector<16xi32>
    %add3A_35 = arith.constant 16 : i32
    %add3A_36 = vector.broadcast %add3A_35 : i32 to vector<16xi32>
    %add3A_37 = arith.addi %iota3A_34, %add3A_36 : vector<16xi32>
    %mul3A_38 = arith.constant 201 : i32
    %mul3A_39 = vector.broadcast %mul3A_38 : i32 to vector<16xi32>
    %mul3A_40 = arith.muli %add3A_37, %mul3A_39 : vector<16xi32>
    %add3A_41 = vector.broadcast %mul3A_4 : i32 to vector<16xi32>
    %add3A_42 = arith.addi %add3A_41, %mul3A_40 : vector<16xi32>
    %add3A_43 = arith.addi %add3A_42, %get3A_33 : vector<16xi32>
    %swap3A_44 = arith.constant 16 : index
    %swap3A_45 = tpu.vector_load %arg9[%swap3A_44] {strides = array<i32>} : memref<128xi32, #tpu.memory_space<vmem>>, vector<16xi32>,
    %swap3A_46 = vector.shape_cast %swap3A_45 : vector<16xi32> to vector<16xi32>
    %swap3A_47 = vector.shape_cast %add3A_43 : vector<16xi32> to vector<16xi32>
    tpu.vector_store %arg9[%swap3A_44], %swap3A_47 {strides = array<i32>} : memref<128xi32, #tpu.memory_space<vmem>>, vector<16xi32>,
    %swap3A_48 = arith.constant 16 : index
    %swap3A_49 = tpu.vector_load %arg10[%swap3A_48] {strides = array<i32>} : memref<128xi32, #tpu.memory_space<vmem>>, vector<16xi32>,
    %swap3A_50 = vector.shape_cast %swap3A_49 : vector<16xi32> to vector<16xi32>
    %swap3A_51 = vector.shape_cast %broadcast_in_dim3A_5 : vector<16xi32> to vector<16xi32>
    tpu.vector_store %arg10[%swap3A_48], %swap3A_51 {strides = array<i32>} : memref<128xi32, #tpu.memory_space<vmem>>, vector<16xi32>,
    %add3A_52 = arith.constant 1 : i32
    %add3A_53 = vector.broadcast %add3A_52 : i32 to vector<16xi32>
    %add3A_54 = arith.addi %get3A_33, %add3A_53 : vector<16xi32>
    %swap3A_55 = arith.constant 16 : index
    %swap3A_56 = tpu.vector_load %arg8[%swap3A_55] {strides = array<i32>} : memref<128xi32, #tpu.memory_space<vmem>>, vector<16xi32>,
    %swap3A_57 = vector.shape_cast %swap3A_56 : vector<16xi32> to vector<16xi32>
    %swap3A_58 = vector.shape_cast %add3A_54 : vector<16xi32> to vector<16xi32>
    tpu.vector_store %arg8[%swap3A_55], %swap3A_58 {strides = array<i32>} : memref<128xi32, #tpu.memory_space<vmem>>, vector<16xi32>,
    %get3A_59 = arith.constant 32 : index
    %get3A_60 = tpu.vector_load %arg7[%get3A_59] {strides = array<i32>} : memref<128xi32, #tpu.memory_space<vmem>>, vector<16xi32>,
    %get3A_61 = vector.shape_cast %get3A_60 : vector<16xi32> to vector<16xi32>
    %iota3A_62 = tpu.iota {dimensions = array<i32: 0>} : vector<16xi32>
    %add3A_63 = arith.constant 32 : i32
    %add3A_64 = vector.broadcast %add3A_63 : i32 to vector<16xi32>
    %add3A_65 = arith.addi %iota3A_62, %add3A_64 : vector<16xi32>
    %mul3A_66 = arith.constant 201 : i32
    %mul3A_67 = vector.broadcast %mul3A_66 : i32 to vector<16xi32>
    %mul3A_68 = arith.muli %add3A_65, %mul3A_67 : vector<16xi32>
    %add3A_69 = vector.broadcast %mul3A_4 : i32 to vector<16xi32>
    %add3A_70 = arith.addi %add3A_69, %mul3A_68 : vector<16xi32>
    %add3A_71 = arith.addi %add3A_70, %get3A_61 : vector<16xi32>
    %swap3A_72 = arith.constant 32 : index
    %swap3A_73 = tpu.vector_load %arg9[%swap3A_72] {strides = array<i32>} : memref<128xi32, #tpu.memory_space<vmem>>, vector<16xi32>,
    %swap3A_74 = vector.shape_cast %swap3A_73 : vector<16xi32> to vector<16xi32>
    %swap3A_75 = vector.shape_cast %add3A_71 : vector<16xi32> to vector<16xi32>
    tpu.vector_store %arg9[%swap3A_72], %swap3A_75 {strides = array<i32>} : memref<128xi32, #tpu.memory_space<vmem>>, vector<16xi32>,
    %swap3A_76 = arith.constant 32 : index
    %swap3A_77 = tpu.vector_load %arg10[%swap3A_76] {strides = array<i32>} : memref<128xi32, #tpu.memory_space<vmem>>, vector<16xi32>,
    %swap3A_78 = vector.shape_cast %swap3A_77 : vector<16xi32> to vector<16xi32>
    %swap3A_79 = vector.shape_cast %broadcast_in_dim3A_5 : vector<16xi32> to vector<16xi32>
    tpu.vector_store %arg10[%swap3A_76], %swap3A_79 {strides = array<i32>} : memref<128xi32, #tpu.memory_space<vmem>>, vector<16xi32>,
    %add3A_80 = arith.constant 1 : i32
    %add3A_81 = vector.broadcast %add3A_80 : i32 to vector<16xi32>
    %add3A_82 = arith.addi %get3A_61, %add3A_81 : vector<16xi32>
    %swap3A_83 = arith.constant 32 : index
    %swap3A_84 = tpu.vector_load %arg8[%swap3A_83] {strides = array<i32>} : memref<128xi32, #tpu.memory_space<vmem>>, vector<16xi32>,
    %swap3A_85 = vector.shape_cast %swap3A_84 : vector<16xi32> to vector<16xi32>
    %swap3A_86 = vector.shape_cast %add3A_82 : vector<16xi32> to vector<16xi32>
    tpu.vector_store %arg8[%swap3A_83], %swap3A_86 {strides = array<i32>} : memref<128xi32, #tpu.memory_space<vmem>>, vector<16xi32>,
    %get3A_87 = arith.constant 48 : index
    %get3A_88 = tpu.vector_load %arg7[%get3A_87] {strides = array<i32>} : memref<128xi32, #tpu.memory_space<vmem>>, vector<16xi32>,
    %get3A_89 = vector.shape_cast %get3A_88 : vector<16xi32> to vector<16xi32>
    %iota3A_90 = tpu.iota {dimensions = array<i32: 0>} : vector<16xi32>
    %add3A_91 = arith.constant 48 : i32
    %add3A_92 = vector.broadcast %add3A_91 : i32 to vector<16xi32>
    %add3A_93 = arith.addi %iota3A_90, %add3A_92 : vector<16xi32>
    %mul3A_94 = arith.constant 201 : i32
    %mul3A_95 = vector.broadcast %mul3A_94 : i32 to vector<16xi32>
    %mul3A_96 = arith.muli %add3A_93, %mul3A_95 : vector<16xi32>
    %add3A_97 = vector.broadcast %mul3A_4 : i32 to vector<16xi32>
    %add3A_98 = arith.addi %add3A_97, %mul3A_96 : vector<16xi32>
    %add3A_99 = arith.addi %add3A_98, %get3A_89 : vector<16xi32>
    %swap3A_100 = arith.constant 48 : index
    %swap3A_101 = tpu.vector_load %arg9[%swap3A_100] {strides = array<i32>} : memref<128xi32, #tpu.memory_space<vmem>>, vector<16xi32>,
    %swap3A_102 = vector.shape_cast %swap3A_101 : vector<16xi32> to vector<16xi32>
    %swap3A_103 = vector.shape_cast %add3A_99 : vector<16xi32> to vector<16xi32>
    tpu.vector_store %arg9[%swap3A_100], %swap3A_103 {strides = array<i32>} : memref<128xi32, #tpu.memory_space<vmem>>, vector<16xi32>,
    %swap3A_104 = arith.constant 48 : index
    %swap3A_105 = tpu.vector_load %arg10[%swap3A_104] {strides = array<i32>} : memref<128xi32, #tpu.memory_space<vmem>>, vector<16xi32>,
    %swap3A_106 = vector.shape_cast %swap3A_105 : vector<16xi32> to vector<16xi32>
    %swap3A_107 = vector.shape_cast %broadcast_in_dim3A_5 : vector<16xi32> to vector<16xi32>
    tpu.vector_store %arg10[%swap3A_104], %swap3A_107 {strides = array<i32>} : memref<128xi32, #tpu.memory_space<vmem>>, vector<16xi32>,
    %add3A_108 = arith.constant 1 : i32
    %add3A_109 = vector.broadcast %add3A_108 : i32 to vector<16xi32>
    %add3A_110 = arith.addi %get3A_89, %add3A_109 : vector<16xi32>
    %swap3A_111 = arith.constant 48 : index
    %swap3A_112 = tpu.vector_load %arg8[%swap3A_111] {strides = array<i32>} : memref<128xi32, #tpu.memory_space<vmem>>, vector<16xi32>,
    %swap3A_113 = vector.shape_cast %swap3A_112 : vector<16xi32> to vector<16xi32>
    %swap3A_114 = vector.shape_cast %add3A_110 : vector<16xi32> to vector<16xi32>
    tpu.vector_store %arg8[%swap3A_111], %swap3A_114 {strides = array<i32>} : memref<128xi32, #tpu.memory_space<vmem>>, vector<16xi32>,
    %get3A_115 = arith.constant 64 : index
    %get3A_116 = tpu.vector_load %arg7[%get3A_115] {strides = array<i32>} : memref<128xi32, #tpu.memory_space<vmem>>, vector<16xi32>,
    %get3A_117 = vector.shape_cast %get3A_116 : vector<16xi32> to vector<16xi32>
    %iota3A_118 = tpu.iota {dimensions = array<i32: 0>} : vector<16xi32>
    %add3A_119 = arith.constant 64 : i32
    %add3A_120 = vector.broadcast %add3A_119 : i32 to vector<16xi32>
    %add3A_121 = arith.addi %iota3A_118, %add3A_120 : vector<16xi32>
    %mul3A_122 = arith.constant 201 : i32
    %mul3A_123 = vector.broadcast %mul3A_122 : i32 to vector<16xi32>
    %mul3A_124 = arith.muli %add3A_121, %mul3A_123 : vector<16xi32>
    %add3A_125 = vector.broadcast %mul3A_4 : i32 to vector<16xi32>
    %add3A_126 = arith.addi %add3A_125, %mul3A_124 : vector<16xi32>
    %add3A_127 = arith.addi %add3A_126, %get3A_117 : vector<16xi32>
    %swap3A_128 = arith.constant 64 : index
    %swap3A_129 = tpu.vector_load %arg9[%swap3A_128] {strides = array<i32>} : memref<128xi32, #tpu.memory_space<vmem>>, vector<16xi32>,
    %swap3A_130 = vector.shape_cast %swap3A_129 : vector<16xi32> to vector<16xi32>
    %swap3A_131 = vector.shape_cast %add3A_127 : vector<16xi32> to vector<16xi32>
    tpu.vector_store %arg9[%swap3A_128], %swap3A_131 {strides = array<i32>} : memref<128xi32, #tpu.memory_space<vmem>>, vector<16xi32>,
    %swap3A_132 = arith.constant 64 : index
    %swap3A_133 = tpu.vector_load %arg10[%swap3A_132] {strides = array<i32>} : memref<128xi32, #tpu.memory_space<vmem>>, vector<16xi32>,
    %swap3A_134 = vector.shape_cast %swap3A_133 : vector<16xi32> to vector<16xi32>
    %swap3A_135 = vector.shape_cast %broadcast_in_dim3A_5 : vector<16xi32> to vector<16xi32>
    tpu.vector_store %arg10[%swap3A_132], %swap3A_135 {strides = array<i32>} : memref<128xi32, #tpu.memory_space<vmem>>, vector<16xi32>,
    %add3A_136 = arith.constant 1 : i32
    %add3A_137 = vector.broadcast %add3A_136 : i32 to vector<16xi32>
    %add3A_138 = arith.addi %get3A_117, %add3A_137 : vector<16xi32>
    %swap3A_139 = arith.constant 64 : index
    %swap3A_140 = tpu.vector_load %arg8[%swap3A_139] {strides = array<i32>} : memref<128xi32, #tpu.memory_space<vmem>>, vector<16xi32>,
    %swap3A_141 = vector.shape_cast %swap3A_140 : vector<16xi32> to vector<16xi32>
    %swap3A_142 = vector.shape_cast %add3A_138 : vector<16xi32> to vector<16xi32>
    tpu.vector_store %arg8[%swap3A_139], %swap3A_142 {strides = array<i32>} : memref<128xi32, #tpu.memory_space<vmem>>, vector<16xi32>,
    %get3A_143 = arith.constant 80 : index
    %get3A_144 = tpu.vector_load %arg7[%get3A_143] {strides = array<i32>} : memref<128xi32, #tpu.memory_space<vmem>>, vector<16xi32>,
    %get3A_145 = vector.shape_cast %get3A_144 : vector<16xi32> to vector<16xi32>
    %iota3A_146 = tpu.iota {dimensions = array<i32: 0>} : vector<16xi32>
    %add3A_147 = arith.constant 80 : i32
    %add3A_148 = vector.broadcast %add3A_147 : i32 to vector<16xi32>
    %add3A_149 = arith.addi %iota3A_146, %add3A_148 : vector<16xi32>
    %mul3A_150 = arith.constant 201 : i32
    %mul3A_151 = vector.broadcast %mul3A_150 : i32 to vector<16xi32>
    %mul3A_152 = arith.muli %add3A_149, %mul3A_151 : vector<16xi32>
    %add3A_153 = vector.broadcast %mul3A_4 : i32 to vector<16xi32>
    %add3A_154 = arith.addi %add3A_153, %mul3A_152 : vector<16xi32>
    %add3A_155 = arith.addi %add3A_154, %get3A_145 : vector<16xi32>
    %swap3A_156 = arith.constant 80 : index
    %swap3A_157 = tpu.vector_load %arg9[%swap3A_156] {strides = array<i32>} : memref<128xi32, #tpu.memory_space<vmem>>, vector<16xi32>,
    %swap3A_158 = vector.shape_cast %swap3A_157 : vector<16xi32> to vector<16xi32>
    %swap3A_159 = vector.shape_cast %add3A_155 : vector<16xi32> to vector<16xi32>
    tpu.vector_store %arg9[%swap3A_156], %swap3A_159 {strides = array<i32>} : memref<128xi32, #tpu.memory_space<vmem>>, vector<16xi32>,
    %swap3A_160 = arith.constant 80 : index
    %swap3A_161 = tpu.vector_load %arg10[%swap3A_160] {strides = array<i32>} : memref<128xi32, #tpu.memory_space<vmem>>, vector<16xi32>,
    %swap3A_162 = vector.shape_cast %swap3A_161 : vector<16xi32> to vector<16xi32>
    %swap3A_163 = vector.shape_cast %broadcast_in_dim3A_5 : vector<16xi32> to vector<16xi32>
    tpu.vector_store %arg10[%swap3A_160], %swap3A_163 {strides = array<i32>} : memref<128xi32, #tpu.memory_space<vmem>>, vector<16xi32>,
    %add3A_164 = arith.constant 1 : i32
    %add3A_165 = vector.broadcast %add3A_164 : i32 to vector<16xi32>
    %add3A_166 = arith.addi %get3A_145, %add3A_165 : vector<16xi32>
    %swap3A_167 = arith.constant 80 : index
    %swap3A_168 = tpu.vector_load %arg8[%swap3A_167] {strides = array<i32>} : memref<128xi32, #tpu.memory_space<vmem>>, vector<16xi32>,
    %swap3A_169 = vector.shape_cast %swap3A_168 : vector<16xi32> to vector<16xi32>
    %swap3A_170 = vector.shape_cast %add3A_166 : vector<16xi32> to vector<16xi32>
    tpu.vector_store %arg8[%swap3A_167], %swap3A_170 {strides = array<i32>} : memref<128xi32, #tpu.memory_space<vmem>>, vector<16xi32>,
    %get3A_171 = arith.constant 96 : index
    %get3A_172 = tpu.vector_load %arg7[%get3A_171] {strides = array<i32>} : memref<128xi32, #tpu.memory_space<vmem>>, vector<16xi32>,
    %get3A_173 = vector.shape_cast %get3A_172 : vector<16xi32> to vector<16xi32>
    %iota3A_174 = tpu.iota {dimensions = array<i32: 0>} : vector<16xi32>
    %add3A_175 = arith.constant 96 : i32
    %add3A_176 = vector.broadcast %add3A_175 : i32 to vector<16xi32>
    %add3A_177 = arith.addi %iota3A_174, %add3A_176 : vector<16xi32>
    %mul3A_178 = arith.constant 201 : i32
    %mul3A_179 = vector.broadcast %mul3A_178 : i32 to vector<16xi32>
    %mul3A_180 = arith.muli %add3A_177, %mul3A_179 : vector<16xi32>
    %add3A_181 = vector.broadcast %mul3A_4 : i32 to vector<16xi32>
    %add3A_182 = arith.addi %add3A_181, %mul3A_180 : vector<16xi32>
    %add3A_183 = arith.addi %add3A_182, %get3A_173 : vector<16xi32>
    %swap3A_184 = arith.constant 96 : index
    %swap3A_185 = tpu.vector_load %arg9[%swap3A_184] {strides = array<i32>} : memref<128xi32, #tpu.memory_space<vmem>>, vector<16xi32>,
    %swap3A_186 = vector.shape_cast %swap3A_185 : vector<16xi32> to vector<16xi32>
    %swap3A_187 = vector.shape_cast %add3A_183 : vector<16xi32> to vector<16xi32>
    tpu.vector_store %arg9[%swap3A_184], %swap3A_187 {strides = array<i32>} : memref<128xi32, #tpu.memory_space<vmem>>, vector<16xi32>,
    %swap3A_188 = arith.constant 96 : index
    %swap3A_189 = tpu.vector_load %arg10[%swap3A_188] {strides = array<i32>} : memref<128xi32, #tpu.memory_space<vmem>>, vector<16xi32>,
    %swap3A_190 = vector.shape_cast %swap3A_189 : vector<16xi32> to vector<16xi32>
    %swap3A_191 = vector.shape_cast %broadcast_in_dim3A_5 : vector<16xi32> to vector<16xi32>
    tpu.vector_store %arg10[%swap3A_188], %swap3A_191 {strides = array<i32>} : memref<128xi32, #tpu.memory_space<vmem>>, vector<16xi32>,
    %add3A_192 = arith.constant 1 : i32
    %add3A_193 = vector.broadcast %add3A_192 : i32 to vector<16xi32>
    %add3A_194 = arith.addi %get3A_173, %add3A_193 : vector<16xi32>
    %swap3A_195 = arith.constant 96 : index
    %swap3A_196 = tpu.vector_load %arg8[%swap3A_195] {strides = array<i32>} : memref<128xi32, #tpu.memory_space<vmem>>, vector<16xi32>,
    %swap3A_197 = vector.shape_cast %swap3A_196 : vector<16xi32> to vector<16xi32>
    %swap3A_198 = vector.shape_cast %add3A_194 : vector<16xi32> to vector<16xi32>
    tpu.vector_store %arg8[%swap3A_195], %swap3A_198 {strides = array<i32>} : memref<128xi32, #tpu.memory_space<vmem>>, vector<16xi32>,
    %get3A_199 = arith.constant 112 : index
    %get3A_200 = tpu.vector_load %arg7[%get3A_199] {strides = array<i32>} : memref<128xi32, #tpu.memory_space<vmem>>, vector<16xi32>,
    %get3A_201 = vector.shape_cast %get3A_200 : vector<16xi32> to vector<16xi32>
    %iota3A_202 = tpu.iota {dimensions = array<i32: 0>} : vector<16xi32>
    %add3A_203 = arith.constant 112 : i32
    %add3A_204 = vector.broadcast %add3A_203 : i32 to vector<16xi32>
    %add3A_205 = arith.addi %iota3A_202, %add3A_204 : vector<16xi32>
    %mul3A_206 = arith.constant 201 : i32
    %mul3A_207 = vector.broadcast %mul3A_206 : i32 to vector<16xi32>
    %mul3A_208 = arith.muli %add3A_205, %mul3A_207 : vector<16xi32>
    %add3A_209 = vector.broadcast %mul3A_4 : i32 to vector<16xi32>
    %add3A_210 = arith.addi %add3A_209, %mul3A_208 : vector<16xi32>
    %add3A_211 = arith.addi %add3A_210, %get3A_201 : vector<16xi32>
    %swap3A_212 = arith.constant 112 : index
    %swap3A_213 = tpu.vector_load %arg9[%swap3A_212] {strides = array<i32>} : memref<128xi32, #tpu.memory_space<vmem>>, vector<16xi32>,
    %swap3A_214 = vector.shape_cast %swap3A_213 : vector<16xi32> to vector<16xi32>
    %swap3A_215 = vector.shape_cast %add3A_211 : vector<16xi32> to vector<16xi32>
    tpu.vector_store %arg9[%swap3A_212], %swap3A_215 {strides = array<i32>} : memref<128xi32, #tpu.memory_space<vmem>>, vector<16xi32>,
    %swap3A_216 = arith.constant 112 : index
    %swap3A_217 = tpu.vector_load %arg10[%swap3A_216] {strides = array<i32>} : memref<128xi32, #tpu.memory_space<vmem>>, vector<16xi32>,
    %swap3A_218 = vector.shape_cast %swap3A_217 : vector<16xi32> to vector<16xi32>
    %swap3A_219 = vector.shape_cast %broadcast_in_dim3A_5 : vector<16xi32> to vector<16xi32>
    tpu.vector_store %arg10[%swap3A_216], %swap3A_219 {strides = array<i32>} : memref<128xi32, #tpu.memory_space<vmem>>, vector<16xi32>,
    %add3A_220 = arith.constant 1 : i32
    %add3A_221 = vector.broadcast %add3A_220 : i32 to vector<16xi32>
    %add3A_222 = arith.addi %get3A_201, %add3A_221 : vector<16xi32>
    %swap3A_223 = arith.constant 112 : index
    %swap3A_224 = tpu.vector_load %arg8[%swap3A_223] {strides = array<i32>} : memref<128xi32, #tpu.memory_space<vmem>>, vector<16xi32>,
    %swap3A_225 = vector.shape_cast %swap3A_224 : vector<16xi32> to vector<16xi32>
    %swap3A_226 = vector.shape_cast %add3A_222 : vector<16xi32> to vector<16xi32>
    tpu.vector_store %arg8[%swap3A_223], %swap3A_226 {strides = array<i32>} : memref<128xi32, #tpu.memory_space<vmem>>, vector<16xi32>,
    "tpu.region"() ({
      %run_scoped3A = tpu.sem_alloc : memref<!tpu.dma_semaphore, #tpu.memory_space<semaphore_mem>>
      %dma_start3A_229 = tpu.memref_slice %arg5[%mul3A_2] : memref<4096xi32, #tpu.memory_space<hbm>> -> memref<128xi32, #tpu.memory_space<hbm>>
      %dma_start3A_230 = tpu.memref_slice %arg5[%mul3A_2] : memref<4096xi32, #tpu.memory_space<hbm>> -> memref<128xi32, #tpu.memory_space<hbm>>
      tpu.enqueue_dma source(%arg8 : memref<128xi32, #tpu.memory_space<vmem>>) target(%dma_start3A_230 : memref<128xi32, #tpu.memory_space<hbm>>) target_semaphore(%run_scoped3A : memref<!tpu.dma_semaphore, #tpu.memory_space<semaphore_mem>>)
      %dma_wait3A_231 = tpu.memref_slice %arg5[%mul3A_2] : memref<4096xi32, #tpu.memory_space<hbm>> -> memref<128xi32, #tpu.memory_space<hbm>>
      %dma_wait3A_232 = tpu.memref_slice %arg5[%mul3A_2] : memref<4096xi32, #tpu.memory_space<hbm>> -> memref<128xi32, #tpu.memory_space<hbm>>
      tpu.wait_dma2 semaphore(%run_scoped3A : memref<!tpu.dma_semaphore, #tpu.memory_space<semaphore_mem>>) src(%arg8 : memref<128xi32, #tpu.memory_space<vmem>>) dst(%dma_wait3A_232 : memref<128xi32, #tpu.memory_space<hbm>>)
      tpu.yield
    }) : () -> ()
    "tpu.region"() ({
      %run_scoped3A = tpu.sem_alloc : memref<!tpu.dma_semaphore, #tpu.memory_space<semaphore_mem>>
      %dma_start3A_229 = tpu.memref_slice %arg4[%mul3A_4] : memref<823296xi32, #tpu.memory_space<hbm>> -> memref<25728xi32, #tpu.memory_space<hbm>>
      %dma_start3A_230 = tpu.memref_slice %arg4[%mul3A_4] : memref<823296xi32, #tpu.memory_space<hbm>> -> memref<25728xi32, #tpu.memory_space<hbm>>
      tpu.enqueue_dma source(%arg6 : memref<25728xi32, #tpu.memory_space<vmem>>) target(%dma_start3A_230 : memref<25728xi32, #tpu.memory_space<hbm>>) target_semaphore(%run_scoped3A : memref<!tpu.dma_semaphore, #tpu.memory_space<semaphore_mem>>)
      %dma_wait3A_231 = tpu.memref_slice %arg4[%mul3A_4] : memref<823296xi32, #tpu.memory_space<hbm>> -> memref<25728xi32, #tpu.memory_space<hbm>>
      %dma_wait3A_232 = tpu.memref_slice %arg4[%mul3A_4] : memref<823296xi32, #tpu.memory_space<hbm>> -> memref<25728xi32, #tpu.memory_space<hbm>>
      tpu.wait_dma2 semaphore(%run_scoped3A : memref<!tpu.dma_semaphore, #tpu.memory_space<semaphore_mem>>) src(%arg6 : memref<25728xi32, #tpu.memory_space<vmem>>) dst(%dma_wait3A_232 : memref<25728xi32, #tpu.memory_space<hbm>>)
      tpu.yield
    }) : () -> ()
    %dma_start3A = arith.constant 0 : i32
    %dma_start3A_227 = tpu.memref_slice %arg4[%dma_start3A] : memref<823296xi32, #tpu.memory_space<hbm>> -> memref<823296xi32, #tpu.memory_space<hbm>>
    tpu.enqueue_indirect_dma source(%arg10 : memref<128xi32, #tpu.memory_space<vmem>>) target(%dma_start3A_227 : memref<823296xi32, #tpu.memory_space<hbm>>) offsets(%arg9 : memref<128xi32, #tpu.memory_space<vmem>>) semaphore(%arg11 : memref<!tpu.dma_semaphore, #tpu.memory_space<semaphore_mem>>)
    %dma_wait3A = arith.constant 0 : i32
    %dma_wait3A_228 = tpu.memref_slice %arg4[%dma_wait3A] : memref<823296xi32, #tpu.memory_space<hbm>> -> memref<823296xi32, #tpu.memory_space<hbm>>
    tpu.wait_indirect_dma semaphore(%arg11 : memref<!tpu.dma_semaphore, #tpu.memory_space<semaphore_mem>>) src(%arg10 : memref<128xi32, #tpu.memory_space<vmem>>) dst(%dma_wait3A_228 : memref<823296xi32, #tpu.memory_space<hbm>>)
    return
  }
}

module attributes {stable_mosaic.version = 14 : i64} {
  func.func @_tc_body(%arg0: i32, %arg1: memref<128x201xi32, #tpu.memory_space<vmem>>, %arg2: memref<4x128xf32, #tpu.memory_space<vmem>>, %arg3: memref<128x201x128xf32, #tpu.memory_space<vmem>>) attributes {dimension_semantics = [#tpu.dimension_semantics<arbitrary>], iteration_bounds = array<i64: 32>, scalar_prefetch = 0 : i64, scratch_operands = 0 : i64, tpu.core_type = #tpu.core_type<tc>, window_params = [{transform_indices = @transform_0, window_bounds = array<i64: 128, 201>}, {pipeline_mode = #tpu.pipeline_mode<synchronous>, transform_indices = @transform_1, window_bounds = array<i64: 4, 128>}, {transform_indices = @transform_2, window_bounds = array<i64: 128, 201, 128>}]} {
    %get3A = arith.constant 0 : index
    %get3A_0 = arith.constant 0 : index
    %get3A_1 = vector.load %arg1[%get3A, %get3A_0] : memref<128x201xi32, #tpu.memory_space<vmem>>, vector<128x201xi32>
    %broadcast_in_dim3A = vector.shape_cast %get3A_1 : vector<128x201xi32> to vector<128x201x1xi32>
    %get3A_2 = arith.constant 0 : index
    %get3A_3 = arith.constant 0 : index
    %get3A_4 = vector.load %arg2[%get3A_2, %get3A_3] : memref<4x128xf32, #tpu.memory_space<vmem>>, vector<1x128xf32>
    %get3A_5 = vector.shape_cast %get3A_4 : vector<1x128xf32> to vector<128xf32>
    %broadcast_in_dim3A_6 = vector.shape_cast %get3A_5 : vector<128xf32> to vector<1x1x128xf32>
    %get3A_7 = arith.constant 1 : index
    %get3A_8 = arith.constant 0 : index
    %get3A_9 = vector.load %arg2[%get3A_7, %get3A_8] : memref<4x128xf32, #tpu.memory_space<vmem>>, vector<1x128xf32>
    %get3A_10 = vector.shape_cast %get3A_9 : vector<1x128xf32> to vector<128xf32>
    %broadcast_in_dim3A_11 = vector.shape_cast %get3A_10 : vector<128xf32> to vector<1x1x128xf32>
    %get3A_12 = arith.constant 2 : index
    %get3A_13 = arith.constant 0 : index
    %get3A_14 = vector.load %arg2[%get3A_12, %get3A_13] : memref<4x128xf32, #tpu.memory_space<vmem>>, vector<1x128xf32>
    %get3A_15 = vector.shape_cast %get3A_14 : vector<1x128xf32> to vector<128xf32>
    %broadcast_in_dim3A_16 = vector.shape_cast %get3A_15 : vector<128xf32> to vector<1x1x128xf32>
    %get3A_17 = arith.constant 3 : index
    %get3A_18 = arith.constant 0 : index
    %get3A_19 = vector.load %arg2[%get3A_17, %get3A_18] : memref<4x128xf32, #tpu.memory_space<vmem>>, vector<1x128xf32>
    %get3A_20 = vector.shape_cast %get3A_19 : vector<1x128xf32> to vector<128xf32>
    %broadcast_in_dim3A_21 = vector.shape_cast %get3A_20 : vector<128xf32> to vector<1x1x128xf32>
    %lt3A = arith.constant 2 : i32
    %lt3A_22 = vector.broadcast %lt3A : i32 to vector<128x201x1xi32>
    %lt3A_23 = arith.cmpi slt, %broadcast_in_dim3A, %lt3A_22 : vector<128x201x1xi32>
    %eq3A = arith.constant 0 : i32
    %eq3A_24 = vector.broadcast %eq3A : i32 to vector<128x201x1xi32>
    %eq3A_25 = arith.cmpi eq, %broadcast_in_dim3A, %eq3A_24 : vector<128x201x1xi32>
    %broadcast_in_dim3A_26 = vector.shape_cast %eq3A_25 : vector<128x201x1xi1> to vector<128x201x1xi1>
    %broadcast_in_dim3A_27 = vector.broadcast %broadcast_in_dim3A_26 : vector<128x201x1xi1> to vector<128x201x128xi1>
    %broadcast_in_dim3A_28 = vector.shape_cast %broadcast_in_dim3A_6 : vector<1x1x128xf32> to vector<1x1x128xf32>
    %broadcast_in_dim3A_29 = vector.broadcast %broadcast_in_dim3A_28 : vector<1x1x128xf32> to vector<128x201x128xf32>
    %broadcast_in_dim3A_30 = vector.shape_cast %broadcast_in_dim3A_11 : vector<1x1x128xf32> to vector<1x1x128xf32>
    %broadcast_in_dim3A_31 = vector.broadcast %broadcast_in_dim3A_30 : vector<1x1x128xf32> to vector<128x201x128xf32>
    %select_n3A = arith.select %broadcast_in_dim3A_27, %broadcast_in_dim3A_29, %broadcast_in_dim3A_31 : vector<128x201x128xi1>, vector<128x201x128xf32>
    %eq3A_32 = arith.constant 2 : i32
    %eq3A_33 = vector.broadcast %eq3A_32 : i32 to vector<128x201x1xi32>
    %eq3A_34 = arith.cmpi eq, %broadcast_in_dim3A, %eq3A_33 : vector<128x201x1xi32>
    %broadcast_in_dim3A_35 = vector.shape_cast %eq3A_34 : vector<128x201x1xi1> to vector<128x201x1xi1>
    %broadcast_in_dim3A_36 = vector.broadcast %broadcast_in_dim3A_35 : vector<128x201x1xi1> to vector<128x201x128xi1>
    %broadcast_in_dim3A_37 = vector.shape_cast %broadcast_in_dim3A_16 : vector<1x1x128xf32> to vector<1x1x128xf32>
    %broadcast_in_dim3A_38 = vector.broadcast %broadcast_in_dim3A_37 : vector<1x1x128xf32> to vector<128x201x128xf32>
    %broadcast_in_dim3A_39 = vector.shape_cast %broadcast_in_dim3A_21 : vector<1x1x128xf32> to vector<1x1x128xf32>
    %broadcast_in_dim3A_40 = vector.broadcast %broadcast_in_dim3A_39 : vector<1x1x128xf32> to vector<128x201x128xf32>
    %select_n3A_41 = arith.select %broadcast_in_dim3A_36, %broadcast_in_dim3A_38, %broadcast_in_dim3A_40 : vector<128x201x128xi1>, vector<128x201x128xf32>
    %broadcast_in_dim3A_42 = vector.shape_cast %lt3A_23 : vector<128x201x1xi1> to vector<128x201x1xi1>
    %broadcast_in_dim3A_43 = vector.broadcast %broadcast_in_dim3A_42 : vector<128x201x1xi1> to vector<128x201x128xi1>
    %select_n3A_44 = arith.select %broadcast_in_dim3A_43, %select_n3A, %select_n3A_41 : vector<128x201x128xi1>, vector<128x201x128xf32>
    %swap3A = arith.constant 0 : index
    %swap3A_45 = arith.constant 0 : index
    %swap3A_46 = arith.constant 0 : index
    %swap3A_47 = vector.load %arg3[%swap3A, %swap3A_45, %swap3A_46] : memref<128x201x128xf32, #tpu.memory_space<vmem>>, vector<128x201x128xf32>
    tpu.vector_store %arg3[%swap3A, %swap3A_45, %swap3A_46], %select_n3A_44 {strides = array<i32>} : memref<128x201x128xf32, #tpu.memory_space<vmem>>, vector<128x201x128xf32>,
    return
  }
  func.func @transform_0(%arg0: i32) -> (i32, i32) {
    %c0_i32 = arith.constant 0 : i32
    %c0_i32_0 = arith.constant 0 : i32
    return %arg0, %c0_i32 : i32, i32
  }
  func.func @transform_1(%arg0: i32) -> (i32, i32) {
    %c0_i32 = arith.constant 0 : i32
    %c0_i32_0 = arith.constant 0 : i32
    %c0_i32_1 = arith.constant 0 : i32
    return %c0_i32, %c0_i32_0 : i32, i32
  }
  func.func @transform_2(%arg0: i32) -> (i32, i32, i32) {
    %c0_i32 = arith.constant 0 : i32
    %c0_i32_0 = arith.constant 0 : i32
    %c0_i32_1 = arith.constant 0 : i32
    return %arg0, %c0_i32, %c0_i32_0 : i32, i32, i32
  }
}

</mosaic_0001>

<sc_bundles>
// kernel: kernel.4.cloned.1.call-start
scs
__scs_entry_jumppad:
0x0: {  	(pc) =	sbr.rel $0x88, $3  }
0x1: {  	(tag) =	ssettag $0x0;
	lr =	simm.s32 $0x1  }
0x2: {  	[smem:$0x3F9D] =	sst lr;
	_ =	strace $0xD0000000  }
0x3: {  	_ = 	snop  }
0x4: {  	_ = 	snop  }
0x5: {  	_ = 	snop  }
0x6: {  	_ = 	snop  }
0x7: {  	_ = 	snop  }
__scs_overlays_trampoline_lowered:
0x8: {  	[smem:$0x3FAC] =	sst s0  }
0x9: {  	[smem:$0x3FAD] =	sst s1  }
0xa: {  	[smem:$0x3FAE] =	sst s2  }
0xb: {  	[smem:$0x3FAF] =	sst s3  }
0xc: {  	[smem:$0x3FB0] =	sst s4  }
0xd: {  	[smem:$0x3FB1] =	sst s5  }
0xe: {  	[smem:$0x3FB2] =	sst s6  }
0xf: {  	[smem:$0x3FB3] =	sst s7  }
0x10: {  	[smem:$0x3FB4] =	sst s8  }
0x11: {  	[smem:$0x3FB5] =	sst s9;
	s0 =	simm.s32 @!p0 $0x0  }
0x12: {  	s1 =	sld [smem:$0x3F9B];
	s0 =	simm.s32 @p0 $0x1  }
0x13: {  	[smem:$0x3FB6] =	sst s0;
	s0 =	simm.s32 @!p1 $0x0  }
0x14: {  	s2 =	sld [smem:$0x3F9A];
	s0 =	simm.s32 @p1 $0x1  }
0x15: {  	[smem:$0x3FB7] =	sst s0;
	s0 =	simm.s32 @!p2 $0x0  }
0x16: {  	s3 =	sld [smem:$0x3FDB];
	s0 =	simm.s32 @p2 $0x1  }
0x17: {  	s4 =	simm.s32 $0x1BF5;
	[smem:$0x3FB9] =	sst s0  }
0x18: {  	s0 =	sld [smem:$0x3F9C];
	_ =	swait.ge [sflag:s4], $0x0  }
0x19: {  	s7 =	sld [smem:$0x3F9D]  }
0x1a: {  	s8 =	sadd.s32 $0xFFFFE003, lr  }
0x1b: {  	s9 =	sadd.s32 $0xFFFFFEF7, lr;
	s5 =	simm.s32 $0xFFFFFFFF;
	p2 =	slt.u32 s8, $0xFFFFF086  }
0x1c: {  	p1 =	slt.u32 s9, $0xF7A;
	s5 =	simm.s32 @!p2 $0x0  }
0x1d: {  	s5 =	simm.s32 @p1 $0x1;
	p0 =	seq.s32 s7, s2  }
0x1e: {  	s7 =	smul.u32 @!p0 $0xF7A, s2;
	p2 =	seq.s32 @!p0 s5, $0x0  }
0x1f: {  	s9 =	smul.u32 $0xF7A, s1;
	s8 =	simm.s32 @!p0 $0x1BF5;
	p2 =	por !p2, p0  }
0x20: {  	[sflag:s8] =	ssyncset.s32 @!p0 $0xFFFFF086;
	s6 =	sadd.s32 @!p0 s3, s7;
	s7 =	simm.s32 @!p0 $0x108  }
0x21: {  	s3 =	sadd.s32 s3, s9;
	s6 =	sadd.s32 @!p0 $0x88, s6;
	s7 =	simm.s32 @p2 $0x1082  }
0x22: {  	[simem:s7], [sflag:s8] =	dma.local @!p0 [hbm:s6], $0xF7A  }
0x23: {  	s9 =	sor.u32 $0xD0000000, s2;
	s6 =	simm.s32 $0x108;
	_ =	swait.ge @!p0 [sflag:s8], $0x0  }
0x24: {  	s3 =	sadd.s32 $0x88, s3;
	s6 =	simm.s32 @!p1 $0x1082;
	[sflag:s4] =	ssyncset.s32 $0xFFFFF086  }
0x25: {  	[simem:s6], [sflag:s4] =	dma.local [hbm:s3], $0xF7A  }
0x26: {  	[smem:$0x3F9D] =	sst s1;
	(tag) =	ssettag s2;
	_ =	strace s9  }
0x27: {  	s1 =	sld [smem:$0x3FAD]  }
0x28: {  	s2 =	sld [smem:$0x3FAE]  }
0x29: {  	s4 =	sld [smem:$0x3FB0]  }
0x2a: {  	p0 =	seq.s32 s5, $0x0;
	s5 =	sld [smem:$0x3FB1]  }
0x2b: {  	s6 =	sld [smem:$0x3FB2]  }
0x2c: {  	s7 =	sld [smem:$0x3FB3]  }
0x2d: {  	s3 =	simm.s32 $0x108;
	s8 =	sld [smem:$0x3FB4]  }
0x2e: {  	s3 =	simm.s32 @!p0 $0x1082;
	s9 =	sld [smem:$0x3FB5]  }
0x2f: {  	lr =	sadd.s32 s0, s3;
	s0 =	sld [smem:$0x3FAC]  }
0x30: {  	s3 =	sld [smem:$0x3FAF]  }
0x31: {  	[smem:$0x3FB8] =	sst s10  }
0x32: {  	s10 =	sld [smem:$0x3FB6];
	_ =	sdelay $0x3  }
0x33: {  	p0 =	seq.s32 s10, $0x1;
	s10 =	sld [smem:$0x3FB8];
	_ =	sdelay $0x3  }
0x34: {  	[smem:$0x3FB8] =	sst s10  }
0x35: {  	s10 =	sld [smem:$0x3FB7];
	_ =	sdelay $0x3  }
0x36: {  	p1 =	seq.s32 s10, $0x1;
	s10 =	sld [smem:$0x3FB8];
	_ =	sdelay $0x3  }
0x37: {  	[smem:$0x3FB8] =	sst s10  }
0x38: {  	s10 =	sld [smem:$0x3FB9]  }
0x39: {  	_ = 	snop;
	(pc) =	sbr.ind lr, $3  }
0x3a: {  	_ = 	snop  }
0x3b: {  	_ = 	snop  }
0x3c: {  	p2 =	seq.s32 s10, $0x1;
	s10 =	sld [smem:$0x3FB8]  }
0x3d: {  	_ =	shalt  }
0x3e: {  	_ =	shalt  }
0x3f: {  	_ =	shalt  }
0x40: {  	_ =	shalt  }
0x41: {  	_ =	shalt  }
0x42: {  	_ =	shalt  }
0x43: {  	_ =	shalt  }
0x44: {  	_ =	shalt  }
0x45: {  	_ =	shalt  }
0x46: {  	_ =	shalt  }
0x47: {  	_ =	shalt  }
0x48: {  	_ =	shalt  }
0x49: {  	_ =	shalt  }
0x4a: {  	_ =	shalt  }
0x4b: {  	_ =	shalt  }
0x4c: {  	_ =	shalt  }
0x4d: {  	_ =	shalt  }
0x4e: {  	_ =	shalt  }
0x4f: {  	_ =	shalt  }
0x50: {  	_ =	shalt  }
0x51: {  	_ =	shalt  }
0x52: {  	_ =	shalt  }
0x53: {  	_ =	shalt  }
0x54: {  	_ =	shalt  }
0x55: {  	_ =	shalt  }
0x56: {  	_ =	shalt  }
0x57: {  	_ =	shalt  }
0x58: {  	_ =	shalt  }
0x59: {  	_ =	shalt  }
0x5a: {  	_ =	shalt  }
0x5b: {  	_ =	shalt  }
0x5c: {  	_ =	shalt  }
0x5d: {  	_ =	shalt  }
0x5e: {  	_ =	shalt  }
0x5f: {  	_ =	shalt  }
0x60: {  	_ =	shalt  }
0x61: {  	_ =	shalt  }
0x62: {  	_ =	shalt  }
0x63: {  	_ =	shalt  }
0x64: {  	_ =	shalt  }
0x65: {  	_ =	shalt  }
0x66: {  	_ =	shalt  }
0x67: {  	_ =	shalt  }
0x68: {  	_ =	shalt  }
0x69: {  	_ =	shalt  }
0x6a: {  	_ =	shalt  }
0x6b: {  	_ =	shalt  }
0x6c: {  	_ =	shalt  }
0x6d: {  	_ =	shalt  }
0x6e: {  	_ =	shalt  }
0x6f: {  	_ =	shalt  }
0x70: {  	_ =	shalt  }
0x71: {  	_ =	shalt  }
0x72: {  	_ =	shalt  }
0x73: {  	_ =	shalt  }
0x74: {  	_ =	shalt  }
0x75: {  	_ =	shalt  }
0x76: {  	_ =	shalt  }
0x77: {  	_ =	shalt  }
0x78: {  	_ =	shalt  }
0x79: {  	_ =	shalt  }
0x7a: {  	_ =	shalt  }
0x7b: {  	_ =	shalt  }
0x7c: {  	_ =	shalt  }
0x7d: {  	_ =	shalt  }
0x7e: {  	_ =	shalt  }
0x7f: {  	_ =	shalt  }
0x80: {  	_ =	shalt  }
0x81: {  	_ =	shalt  }
0x82: {  	_ =	shalt  }
0x83: {  	_ =	shalt  }
0x84: {  	_ =	shalt  }
0x85: {  	_ =	shalt  }
0x86: {  	_ =	shalt  }
0x87: {  	_ =	shalt  }
.Lfunc_end0:
.L_simem_size_0:
called_computation_lowered:
.L_overlay_start_0:
0x88: {  	s2 =	sld [smem:$0x3FD9]  }
0x89: {  	s3 =	sld [smem:$0x3FFE];
	_ =	sdelay $0x1  }
0x8a: {  	s1 =	srdreg.scid  }
0x8b: {  	s0 =	sand.u32 $0x1, s1  }
0x8c: {  	s14 =	sshll.u32 s0, $0xA;
	s2 =	sadd.s32 s3, s2  }
0x8d: {  	s2 =	sadd.s32 s2, s14  }
0x8e: {  	[smem:$0x3FC4] =	sst s2  }
0x8f: {  	_ = 	snop  }
0x90: {  	s2 =	sld [smem:$0x3FD0];
	_ =	sdelay $0x2  }
0x91: {  	s4 =	simm.s32 $0xA;
	s5 =	simm.s32 $0x10;
	s15 =	sld [smem:$0x3FC8]  }
0x92: {  	[smem:s5], [sflag:s4] =	dma.local [hbm:s2], $0x1  }
0x93: {  	_ =	swait.eq [sflag:s4], $0x1  }
0x94: {  	[sflag:s4] =	ssyncset.done $0x0  }
0x95: {  	s16 =	sld [smem:$0x10];
	[sflag:s4] =	ssyncadd.s32 $0xFFFFFFFF  }
0x96: {  	s17 =	sld [smem:$0x11];
	(tm) =	ssettm $0x1  }
0x97: {  	s18 =	sld [smem:$0x3FFB];
	_ =	sdelay $0x3  }
0x98: {  	_ =	strace s18  }
0x99: {  	s5 =	sld [smem:$0x3FFC];
	_ =	sdelay $0x3  }
0x9a: {  	_ =	strace s5  }
0x9b: {  	s5 =	sld [smem:$0x3FFD];
	_ =	sdelay $0x3  }
0x9c: {  	_ =	strace s5  }
0x9d: {  	_ =	strace $0x8FFFFFFF  }
0x9e: {  	s19 =	sld [smem:$0x3FDB];
	_ =	sdelay $0x1  }
0x9f: {  	s6 =	simm.s32 $_scs_section_size  }
0xa0: {  	s7 =	simm.s32 $_size__tile_overlayer_lowered;
	s8 =	simm.s32 $_tile_overlayer_lowered  }
0xa1: {  	s22 =	simm.s32 $0x1BFF;
	s21 =	sshll.u32 s8, $0x1;
	s5 =	sadd.s32 s6, s19  }
0xa2: {  	s9 =	simm.s32 $0x0;
	s20 =	sshll.u32 s7, $0x1;
	s7 =	sadd.s32 s21, s5  }
0xa3: {  	[timem:s9], [sflag:s22] =	dma.local [hbm:s7], s20  }
0xa4: {  	_ =	swait.ge [sflag:s22], s20  }
0xa5: {  	s6 =	ssub.s32 $0x0, s20;
	[sflag:s22] =	ssyncset.done $0x0  }
0xa6: {  	[sflag:s22] =	ssyncadd.s32 s6;
	_ =	sdelay $0x1  }
0xa7: {  	s23 =	simm.s32 $0x1B8B  }
0xa8: {  	_ =	swait.ge [sflag:s23], $0x1  }
0xa9: {  	[sflag:s23] =	ssyncset.done $0x0  }
0xaa: {  	s25 =	simm.s32 $0x1B8E;
	s24 =	sld [smem:$0x3FFE];
	[sflag:s23] =	ssyncadd.s32 $0xFFFFFFFF  }
0xab: {  	s26 =	simm.s32 $execute0_lowered;
	[smem:$0x3FD2] =	sst s25  }
0xac: {  	s7 =	sshll.u32 s26, $0x1;
	_ =	strace $0x80000046;
	[dreg:$0x1] =	wrdreg $0xFFFFFFFF  }
0xad: {  	s28 =	simm.s32 $_size_execute0_lowered;
	s5 =	sadd.s32 s5, s7;
	[dreg:$0x0] =	wrdreg $0x0  }
0xae: {  	s7 =	sshll.u32 s28, $0x1;
	[dreg:$0x2] =	wrdreg s5  }
0xaf: {  	[dreg:$0x3] =	wrdreg s7  }
0xb0: {  	[dreg:$0x4] =	wrdreg $0xC0  }
0xb1: {  	_ =	task [dreg:s9], $0x5FFFF  }
0xb2: {  	[dreg:$0x1] =	wrdreg $0xFFFFFFFF  }
0xb3: {  	[dreg:$0x0] =	wrdreg $0x60  }
0xb4: {  	[dreg:$0x2] =	wrdreg s16  }
0xb5: {  	[dreg:$0x3] =	wrdreg s15  }
0xb6: {  	[dreg:$0x4] =	wrdreg s24  }
0xb7: {  	[dreg:$0x5] =	wrdreg s17  }
0xb8: {  	[dreg:$0x6] =	wrdreg $0x9  }
0xb9: {  	_ =	task.clear_ibuf [dreg:s9], $0x7FFFF;
	_ =	strace $0x90000046  }
0xba: {  	s29 =	simm.s32 $0x9;
	_ =	strace $0x80000048  }
0xbb: {  	_ =	swait.ge [sflag:s29], $0x1  }
0xbc: {  	[sflag:s29] =	ssyncadd.s32 $0xFFFFFFFF  }
0xbd: {  	_ =	strace $0x90000048  }
0xbe: {  	_ =	sfence  }
0xbf: {  	s30 =	sld [smem:$0x0];
	_ =	sdelay $0x2  }
0xc0: {  	s31 =	sshll.u32 s1, $0xD;
	s1 =	sshrl.u32 s1, $0x2  }
0xc1: {  	s3 =	sand.u32 $0x4000, s31;
	s1 =	sadd.s32 s1, s30  }
0xc2: {  	s0 =	sor.u32 s3, s0;
	s1 =	sshll.u32 s1, $0x11  }
0xc3: {  	s0 =	sor.u32 s1, s0  }
0xc4: {  	s0 =	sadd.s32 $0x8F2B, s0  }
0xc5: {  	[sflag:s0] =	ssyncadd.remote.s32 $0x1  }
0xc6: {  	_ =	sfence.sel $0xFFFF  }
0xc7: {  	[dreg:$0x0] =	wrdreg $0xFFFFFFFF;
	(pc) =	sbr.abs _section_cstart, $3  }
0xc8: {  	[dreg:$0x1] =	wrdreg $0xFFFFFFFF  }
0xc9: {  	_ =	task.clear_ibuf [dreg:s9], $0x2FFFF;
	_ =	strace $0x9FFFFFFF  }
0xca: {  	(tm) =	ssettm $0x7FFFFFFF  }
0xcb: {  	_ =	shalt  }
tec
execute0_lowered:
.L_overlay_start_1:
0x0: {  	(tag) =	ssettag $0x1  }
0x1: {  	s3 =	rddreg [dreg:$0x0]  }
0x2: {  	s1 =	srdreg.scid;
	s0 =	stileid.u32  }
0x3: {  	s5 =	rddreg [dreg:$0x1];
	s11 =	sand.u32 $0x1, s1;
	s31 =	sshll.u32 s0, $0x1  }
0x4: {  	s7 =	rddreg [dreg:$0x2];
	s6 =	sor.u32 s11, s31  }
0x5: {  	s8 =	rddreg [dreg:$0x3];
	s9 =	smul.u32 $0x6480, s6  }
0x6: {  	s2 =	simm.s32 $0x0;
	s1 =	rddreg [dreg:$0x4]  }
0x7: {  	[smem:$0x7FF] =	sst s2;
	s10 =	sshrl.u32 s9, $0x3  }
0x8: {  	_ =	strace $0x80000047;
	s4 =	sadd.s32 s3, s10;
	s3 =	simm.s32 $0x2  }
0x9: {  	[tilespmem:s2], [sflag:$0x2] =	stream.linear.gather [hbm4b:s4+s2], $0x6480, $0x38;
	[tilespmem:$0x6680] =	vst v63  }
0xa: {  	_ =	swait.ge [sflag:s3], $0x6480  }
0xb: {  	s12 =	sshll.u32 s6, $0x4;
	[sflag:s3] =	ssyncset.done $0x0  }
0xc: {  	s6 =	simm.s32 $0x6480;
	s5 =	sadd.s32 s5, s12;
	[sflag:s3] =	ssyncadd.s32 $0xFFFF9B80  }
0xd: {  	[tilespmem:s6], [sflag:$0x2] =	stream.linear.gather [hbm4b:s5+s2], $0x80, $0x38;
	[tilespmem:$0x6680] =	vst v63  }
0xe: {  	_ =	swait.ge [sflag:s3], $0x80  }
0xf: {  	[sflag:s3] =	ssyncset.done $0x0  }
0x10: {  	v0 =	vimm.s32 $0x3;
	[sflag:s3] =	ssyncadd.s32 $0xFFFFFF80  }
0x11: {  	[tilespmem:$0x6650] =	vst v0  }
0x12: {  	[tilespmem:$0x6670] =	vst v0  }
0x13: {  	v1 =	vlaneseq.u32;
	v3 =	vld [tilespmem:$0x64F0];
	[tilespmem:$0x6640] =	vst v0  }
0x14: {  	v8 =	vmul.u32 $0xC9, v1;
	[tilespmem:$0x6630] =	vst v0;
	v5 =	vld [tilespmem:$0x64E0]  }
0x15: {  	[tilespmem:$0x6620] =	vst v0;
	v6 =	vld [tilespmem:$0x64A0]  }
0x16: {  	v1 =	vadd.s32 $0x57F0, v8;
	[tilespmem:$0x6610] =	vst v0;
	v12 =	vld [tilespmem:$0x6480]  }
0x17: {  	v1 =	vadd.s32 s9, v1;
	[tilespmem:$0x6600] =	vst v0;
	v10 =	vld [tilespmem:$0x6490]  }
0x18: {  	[tilespmem:$0x6660] =	vst v0;
	v11 =	vld [tilespmem:$0x64B0];
	v4 =	vadd.s32 v3, v1  }
0x19: {  	s11 =	ssub.s32 $0x2, s11;
	v9 =	vadd.s32 $0x1, v3;
	[tilespmem:$0x65F0] =	vst v4  }
0x1a: {  	v2 =	vadd.s32 $0x4B60, v8;
	v7 =	vadd.s32 $0x1920, v8;
	s13 =	sshrl.u32 s11, $0x1;
	v14 =	vld [tilespmem:$0x64D0];
	v13 =	vadd.s32 $0x1, v5;
	[tilespmem:$0x6570] =	vst v9  }
0x1b: {  	s11 =	ssub.s32 s11, s13;
	v2 =	vadd.s32 s9, v2;
	v3 =	vadd.s32 s9, v7;
	v16 =	vadd.s32 $0x1, v12;
	[tilespmem:$0x6560] =	vst v13  }
0x1c: {  	s15 =	smax.u32 s11, $0x1;
	v15 =	vld [tilespmem:$0x64C0];
	v63 =	vadd.s32 $0x1, v10;
	v4 =	vadd.s32 v5, v2;
	v7 =	vadd.s32 v6, v3;
	[tilespmem:$0x6500] =	vst v16  }
0x1d: {  	p0 =	sne.s32 s15, $0x1;
	v9 =	vadd.s32 $0xC90, v8;
	v13 =	vadd.s32 $0x1, v11;
	[tilespmem:$0x65E0] =	vst v4;
	v4 =	vadd.s32 s9, v8  }
.Ltmp0:
0x1e: {  	[tilespmem:$0x65A0] =	vst v7;
	v5 =	vadd.s32 s9, v9;
	v7 =	vadd.s32 $0x25B0, v8;
	v9 =	vadd.s32 $0x1, v6;
	(pc) =	sbr.rel @!p0 .LBB2_2-.Ltmp0, $4  }
0x1f: {  	[tilespmem:$0x6530] =	vst v13;
	v13 =	vadd.s32 $0x1, v14;
	v6 =	vadd.s32 s9, v7;
	v7 =	vadd.s32 $0x3240, v8  }
0x20: {  	s14 =	simm.s32 $0x6600;
	s7 =	sadd.s32 $0xC00, s7;
	s8 =	sadd.s32 s8, s12;
	[tilespmem:$0x6520] =	vst v9;
	v8 =	vadd.s32 $0x3ED0, v8;
	v9 =	vadd.s32 v10, v5;
	v10 =	vadd.s32 v12, v4  }
0x21: {  	s12 =	simm.s32 $0x6500;
	s13 =	simm.s32 $0x1;
	s11 =	simm.s32 $0x6580;
	[tilespmem:$0x6550] =	vst v13;
	v13 =	vadd.s32 $0x1, v15;
	v7 =	vadd.s32 s9, v7;
	v8 =	vadd.s32 s9, v8  }
0x22: {  	s15 =	sadd.s32 $0xFFFFFFFF, s15;
	[tilespmem:$0x6510] =	vst v63;
	s9 =	sadd.s32 s7, s10;
	s10 =	simm.s32 $0x80;
	v12 =	vadd.s32 v11, v6;
	v11 =	vadd.s32 v15, v7;
	v14 =	vadd.s32 v14, v8  }
.LBB2_1:
0x23: {  	p0 =	sne.s32 s15, $0x1;
	s15 =	sadd.s32 $0xFFFFFFFF, s15;
	[tilespmem:$0x65D0] =	vst v14  }
0x24: {  	[tilespmem:$0x65B0] =	vst v12  }
0x25: {  	[tilespmem:$0x6590] =	vst v9  }
0x26: {  	[tilespmem:$0x6540] =	vst v13  }
0x27: {  	[tilespmem:$0x6580] =	vst v10  }
0x28: {  	[tilespmem:$0x65C0] =	vst v11  }
0x29: {  	[hbm4b:s8+s2] =	stream.linear.scatter [tilespmem:s12], [sflag:$0x2], $0x80, $0x38;
	[tilespmem:$0x6680] =	vst v63  }
0x2a: {  	_ =	swait.ge [sflag:s3], $0x80  }
0x2b: {  	[sflag:s3] =	ssyncset.done $0x0  }
0x2c: {  	[sflag:s3] =	ssyncadd.s32 $0xFFFFFF80  }
0x2d: {  	[hbm4b:s9+s2] =	stream.linear.scatter [tilespmem:s2], [sflag:$0x2], $0x6480, $0x38;
	[tilespmem:$0x6680] =	vst v63  }
0x2e: {  	_ =	swait.ge [sflag:s3], $0x6480  }
0x2f: {  	[sflag:s3] =	ssyncset.done $0x0  }
0x30: {  	[sflag:s3] =	ssyncadd.s32 $0xFFFF9B80  }
0x31: {  	[hbm4b:s7+s10] =	stream.indirect.scatter [tilespmem:s14], [sflag:$0x1], $0x1, s11, s10, $0xb8;
	[tilespmem:$0x6680] =	vst v63  }
0x32: {  	_ =	swait.ge [sflag:s13], $0x80  }
0x33: {  	[sflag:s13] =	ssyncset.done $0x0  }
0x34: {  	[sflag:s13] =	ssyncadd.s32 $0xFFFFFF80  }
0x35: {  	[tilespmem:s2], [sflag:$0x2] =	stream.linear.gather [hbm4b:s4+s2], $0x6480, $0x38;
	[tilespmem:$0x6680] =	vst v63  }
0x36: {  	_ =	swait.ge [sflag:s3], $0x6480  }
0x37: {  	[sflag:s3] =	ssyncset.done $0x0  }
0x38: {  	[sflag:s3] =	ssyncadd.s32 $0xFFFF9B80  }
0x39: {  	[tilespmem:s6], [sflag:$0x2] =	stream.linear.gather [hbm4b:s5+s2], $0x80, $0x38;
	[tilespmem:$0x6680] =	vst v63  }
0x3a: {  	_ =	swait.ge [sflag:s3], $0x80  }
0x3b: {  	[sflag:s3] =	ssyncset.done $0x0  }
0x3c: {  	[sflag:s3] =	ssyncadd.s32 $0xFFFFFF80  }
0x3d: {  	[tilespmem:$0x6650] =	vst v0;
	v9 =	vld [tilespmem:$0x64F0]  }
0x3e: {  	v10 =	vld [tilespmem:$0x64E0];
	[tilespmem:$0x6670] =	vst v0  }
0x3f: {  	v11 =	vld [tilespmem:$0x6490];
	[tilespmem:$0x6640] =	vst v0  }
0x40: {  	v12 =	vld [tilespmem:$0x64A0];
	[tilespmem:$0x6630] =	vst v0  }
0x41: {  	v13 =	vld [tilespmem:$0x6480];
	[tilespmem:$0x6620] =	vst v0  }
0x42: {  	[tilespmem:$0x6610] =	vst v0;
	v14 =	vld [tilespmem:$0x64B0];
	v15 =	vadd.s32 v9, v1;
	v16 =	vadd.s32 $0x1, v9  }
0x43: {  	[tilespmem:$0x6600] =	vst v0;
	v17 =	vld [tilespmem:$0x64C0];
	v18 =	vadd.s32 v10, v2;
	v19 =	vadd.s32 $0x1, v10  }
0x44: {  	v20 =	vld [tilespmem:$0x64D0];
	[tilespmem:$0x6660] =	vst v0  }
0x45: {  	v9 =	vadd.s32 v11, v5;
	v21 =	vadd.s32 $0x1, v11;
	v11 =	vadd.s32 v12, v3;
	[tilespmem:$0x65F0] =	vst v15  }
0x46: {  	v22 =	vadd.s32 $0x1, v12;
	v10 =	vadd.s32 v13, v4;
	v15 =	vadd.s32 $0x1, v13;
	[tilespmem:$0x6570] =	vst v16  }
0x47: {  	v12 =	vadd.s32 v14, v6;
	v16 =	vadd.s32 $0x1, v14;
	[tilespmem:$0x65E0] =	vst v18  }
0x48: {  	[tilespmem:$0x65A0] =	vst v11;
	v11 =	vadd.s32 v17, v7;
	v13 =	vadd.s32 $0x1, v17  }
0x49: {  	v14 =	vadd.s32 v20, v8;
	v17 =	vadd.s32 $0x1, v20;
	[tilespmem:$0x6560] =	vst v19  }
.Ltmp1:
0x4a: {  	[tilespmem:$0x6520] =	vst v22;
	(pc) =	sbr.rel @p0 .LBB2_1-.Ltmp1, $4  }
0x4b: {  	[tilespmem:$0x6530] =	vst v16  }
0x4c: {  	[tilespmem:$0x6500] =	vst v15  }
0x4d: {  	[tilespmem:$0x6550] =	vst v17  }
0x4e: {  	[tilespmem:$0x6510] =	vst v21  }
.LBB2_2:
0x4f: {  	[tilespmem:$0x65D0] =	vst v14  }
0x50: {  	[tilespmem:$0x65B0] =	vst v12  }
0x51: {  	[tilespmem:$0x6590] =	vst v9  }
0x52: {  	[tilespmem:$0x6540] =	vst v13  }
0x53: {  	[tilespmem:$0x6580] =	vst v10  }
0x54: {  	[tilespmem:$0x65C0] =	vst v11  }
0x55: {  	[hbm4b:s8+s2] =	stream.linear.scatter [tilespmem:s12], [sflag:$0x2], $0x80, $0x38;
	[tilespmem:$0x6680] =	vst v63  }
0x56: {  	_ =	swait.ge [sflag:s3], $0x80  }
0x57: {  	[sflag:s3] =	ssyncset.done $0x0  }
0x58: {  	[sflag:s3] =	ssyncadd.s32 $0xFFFFFF80  }
0x59: {  	[hbm4b:s9+s2] =	stream.linear.scatter [tilespmem:s2], [sflag:$0x2], $0x6480, $0x38;
	[tilespmem:$0x6680] =	vst v63  }
0x5a: {  	_ =	swait.ge [sflag:s3], $0x6480  }
0x5b: {  	[sflag:s3] =	ssyncset.done $0x0  }
0x5c: {  	[sflag:s3] =	ssyncadd.s32 $0xFFFF9B80  }
0x5d: {  	[hbm4b:s7+s10] =	stream.indirect.scatter [tilespmem:s14], [sflag:$0x1], $0x1, s11, s10, $0xb8;
	[tilespmem:$0x6680] =	vst v63  }
0x5e: {  	_ =	swait.ge [sflag:s13], $0x80  }
0x5f: {  	[sflag:s13] =	ssyncset.done $0x0  }
0x60: {  	[sflag:s13] =	ssyncadd.s32 $0xFFFFFF80  }
0x61: {  	_ =	sfence.sel $0x180000  }
0x62: {  	[bflag:$0x0] =	sbarrier.arrive $0xFFFF  }
0x63: {  	p0 =	sne.s32 s0, $0x0;
	_ =	strace $0x90000047  }
0x64: {  	s0 =	sadd.s32 @!p0 $0x100000, s1;
	[bflag:$0x2] =	sbarrier.arrive $0xFFFF  }
0x65: {  	[sflag:s0] =	ssyncadd.tile.s32 @!p0 $0x1;
	_ =	shalt  }
.Lfunc_end2:
_tile_overlayer_lowered:
.L_overlay_start_2:
0x66: {  	(tag) =	ssettag $0x2  }
0x67: {  	s0 =	rddreg [dreg:$0x0];
	s2 =	stileid.u32  }
0x68: {  	s1 =	rddreg [dreg:$0x1];
	p0 =	sne.s32 s2, $0x0  }
0x69: {  	s3 =	rddreg [dreg:$0x2];
	[bflag:$0x3] =	sbarrier.arrive $0xFFFF;
	s2 =	simm.s32 @!p0 $0x1C02  }
0x6a: {  	[timem:s3], [sflag:s2] =	dma.local @!p0 [hbm:s0], s1  }
0x6b: {  	s0 =	simm.s32 @!p0 $0x2  }
0x6c: {  	_ =	swait.ge @!p0 [sflag:s0], s1  }
0x6d: {  	s1 =	ssub.s32 @!p0 $0x0, s1;
	[sflag:s0] =	ssyncset.done @!p0 $0x0  }
0x6e: {  	[sflag:s0] =	ssyncadd.s32 @!p0 s1  }
0x6f: {  	[bflag:$0x3] =	sbarrier.arrive $0xFFFF  }
0x70: {  	_ =	shalt  }

</sc_bundles>
